<compile_context>
chip_gen: v7x
topology: tpu7x:2x2x1
jax: 0.10.2.dev20260603
libtpu: 0.0.44.dev20260713+nightly
codegen_flags: <defaults>
</compile_context>

<pallas_src>
import functools

import jax
import jax.numpy as jnp
from jax import lax
from jax.experimental import pallas as pl
from jax.experimental.pallas import tpu as pltpu
from jax.experimental.pallas import tpu_sc as plsc

_CHUNK = 128
_VB = 2048


def _h_body(x_ref, w1_ref, b1_ref, h_ref):
    acc = lax.dot_general(
        x_ref[...], w1_ref[...], (((1,), (1,)), ((), ())),
        preferred_element_type=jnp.float32)
    h_ref[...] = jnp.maximum(acc + b1_ref[...], 0.0).astype(jnp.bfloat16)


def _stats_body(v_total, h_ref, w2_ref, b2_ref, norm_ref, m_scr, s_scr):
    j = pl.program_id(0)
    logits = lax.dot_general(
        h_ref[...], w2_ref[...], (((1,), (1,)), ((), ())),
        preferred_element_type=jnp.float32) + b2_ref[0]
    col = j * _VB + lax.broadcasted_iota(jnp.int32, (1, _VB), 1)
    logits = jnp.where(col < v_total, logits, -jnp.inf)
    tmax = jnp.max(logits, axis=1, keepdims=True)

    @pl.when(j == 0)
    def _():
        m_scr[...] = tmax
        s_scr[...] = jnp.sum(jnp.exp(logits - tmax), axis=1, keepdims=True)

    @pl.when(j > 0)
    def _():
        m_old = m_scr[...]
        m_new = jnp.maximum(m_old, tmax)
        s_scr[...] = (s_scr[...] * jnp.exp(m_old - m_new)
                      + jnp.sum(jnp.exp(logits - m_new), axis=1,
                                keepdims=True))
        m_scr[...] = m_new

    @pl.when(j == pl.num_programs(0) - 1)
    def _():
        norm_ref[...] = m_scr[...] + jnp.log(s_scr[...])


def _out_body(h_ref, w2_ref, b2_ref, norm_ref, out_ref):
    logits = lax.dot_general(
        h_ref[...], w2_ref[...], (((1,), (1,)), ((), ())),
        preferred_element_type=jnp.float32) + b2_ref[0]
    out_ref[...] = logits - norm_ref[...]


@functools.cache
def _make_gather(nw, nc, n_chunk, emb_dim):
    mesh = plsc.VectorSubcoreMesh(core_axis_name="c", subcore_axis_name="s")

    @functools.partial(
        pl.kernel,
        out_type=jax.ShapeDtypeStruct((nw, n_chunk, _CHUNK, emb_dim),
                                      jnp.float32),
        mesh=mesh,
        scratch_types=[
            pltpu.VMEM((n_chunk, _CHUNK), jnp.int32),
            pltpu.VMEM((n_chunk, _CHUNK, emb_dim), jnp.float32),
            pltpu.SemaphoreType.DMA,
        ],
    )
    def gather_k(idx_hbm, table_hbm, out_hbm, idx_v, rows_v, sem):
        wid = lax.axis_index("s") * nc + lax.axis_index("c")
        pltpu.sync_copy(idx_hbm.at[wid], idx_v)
        copies = [
            pltpu.async_copy(table_hbm.at[idx_v.at[j]], rows_v.at[j], sem)
            for j in range(n_chunk)
        ]
        for c in copies:
            c.wait()
        pltpu.sync_copy(rows_v, out_hbm.at[wid])

    return gather_k


def kernel(inputs, emb, W1, b1, W2, b2):
    B, CTX = inputs.shape
    V, E = emb.shape
    H = W1.shape[0]
    R = B * CTX

    info = plsc.get_sparse_core_info()
    nw = info.num_cores * info.num_subcores
    n_chunk = R // (nw * _CHUNK)

    idx = inputs.astype(jnp.int32).reshape(nw, n_chunk, _CHUNK)
    emb_p = jnp.pad(emb, ((0, 0), (0, 128 - E)))
    gathered = _make_gather(nw, info.num_cores, n_chunk, 128)(idx, emb_p)
    x = gathered.reshape(R, 128)[:, :E].reshape(B, CTX * E)

    h = pl.pallas_call(
        _h_body,
        out_shape=jax.ShapeDtypeStruct((B, H), jnp.bfloat16),
    )(x, W1, b1.reshape(1, H))
    W2b = W2.astype(jnp.bfloat16)

    nv = (V + _VB - 1) // _VB
    b2r = jnp.pad(b2, (0, nv * _VB - V)).reshape(nv, 1, _VB)

    norm = pl.pallas_call(
        functools.partial(_stats_body, V),
        grid=(nv,),
        in_specs=[
            pl.BlockSpec((B, H), lambda j: (0, 0)),
            pl.BlockSpec((_VB, H), lambda j: (j, 0)),
            pl.BlockSpec((1, 1, _VB), lambda j: (j, 0, 0)),
        ],
        out_specs=pl.BlockSpec((B, 1), lambda j: (0, 0)),
        out_shape=jax.ShapeDtypeStruct((B, 1), jnp.float32),
        scratch_shapes=[
            pltpu.VMEM((B, 1), jnp.float32),
            pltpu.VMEM((B, 1), jnp.float32),
        ],
        compiler_params=pltpu.CompilerParams(
            dimension_semantics=("arbitrary",)),
    )(h, W2b, b2r)

    out = pl.pallas_call(
        _out_body,
        grid=(nv,),
        in_specs=[
            pl.BlockSpec((B, H), lambda j: (0, 0)),
            pl.BlockSpec((_VB, H), lambda j: (j, 0)),
            pl.BlockSpec((1, 1, _VB), lambda j: (j, 0, 0)),
            pl.BlockSpec((B, 1), lambda j: (0, 0)),
        ],
        out_specs=pl.BlockSpec((B, _VB), lambda j: (0, j)),
        out_shape=jax.ShapeDtypeStruct((B, V), jnp.float32),
        compiler_params=pltpu.CompilerParams(
            dimension_semantics=("arbitrary",)),
    )(h, W2b, b2r, norm)

    return out

# --- scband reference (transcript-rebuilt; emitter-appended) ---
"""Pipeline reference for scband-geo-model-12189117186787 (READ-ONLY COPY).

The authoritative reference and input builder live on the scoring server;
editing this copy changes nothing except your own understanding.
"""

import jax, jax.numpy as jnp
import numpy as np

POINTS = 100000
EMB_DIM = 32
CTX = 20
BATCH = 1024


def setup_inputs(seed: int = 0) -> dict:
    key = jax.random.key(seed)
    k1, k2, k3, k4 = jax.random.split(key, 4)
    inputs = jax.random.randint(k1, (BATCH, CTX), 0, POINTS, dtype=jnp.int64 if jax.config.jax_enable_x64 else jnp.int32)
    emb = jax.random.normal(k2, (POINTS, EMB_DIM), dtype=jnp.float32)
    # torch nn.Linear(in=640, out=128): weight [out, in]
    W1 = jax.random.normal(k3, (128, EMB_DIM * CTX), dtype=jnp.float32) * (1.0 / np.sqrt(EMB_DIM * CTX))
    b1 = jnp.zeros((128,), dtype=jnp.float32)
    W2 = jax.random.normal(k4, (POINTS, 128), dtype=jnp.float32) * (1.0 / np.sqrt(128.0))
    b2 = jnp.zeros((POINTS,), dtype=jnp.float32)
    return {"inputs": inputs, "emb": emb, "W1": W1, "b1": b1, "W2": W2, "b2": b2}


def reference(inputs, emb, W1, b1, W2, b2):
    input_size = inputs.shape[0]
    # embedding lookup -> [B, CTX, EMB_DIM] -> flatten to [B, CTX*EMB_DIM]
    embeddings = jnp.take(emb, inputs, axis=0).reshape((input_size, -1))
    output = jax.nn.relu(embeddings @ W1.T + b1)
    logits = output @ W2.T + b2
    log_probs = jax.nn.log_softmax(logits, axis=1)
    return log_probs

if __name__ == "__main__":
    import jax
    _d = setup_inputs()
    print(jax.jit(kernel)(*tuple(_d.values())))

</pallas_src>

<mosaic_0001>
#map = affine_map<(d0, d1) -> (0, 0, 0)>
#map1 = affine_map<(d0, d1) -> (0, 0)>
#map2 = affine_map<(d0, d1) -> (0, 0, 0, 0)>
module attributes {stable_mosaic.version = 14 : i64} {
  func.func @gather_k(%arg0: i32, %arg1: i32, %arg2: memref<32x5x128xi32, #tpu.memory_space<hbm>>, %arg3: memref<100000x128xf32, #tpu.memory_space<hbm>>, %arg4: memref<32x5x128x128xf32, #tpu.memory_space<hbm>>, %arg5: memref<5x128xi32, #tpu.memory_space<vmem>>, %arg6: memref<5x128x128xf32, #tpu.memory_space<vmem>>, %arg7: memref<!tpu.dma_semaphore, #tpu.memory_space<semaphore_mem>>) attributes {dimension_semantics = [#tpu.dimension_semantics<core_parallel>, #tpu.dimension_semantics<subcore_parallel>], iteration_bounds = array<i64: 2, 16>, scalar_prefetch = 0 : i64, scratch_operands = 3 : i64, tpu.core_type = #tpu.core_type<sc_vector_subcore>, window_params = [{transform_indices = #map}, {transform_indices = #map1}, {transform_indices = #map2}]} {
    %mul3A = arith.constant 2 : i32
    %mul3A_0 = arith.muli %arg1, %mul3A : i32
    %add3A = arith.addi %mul3A_0, %arg0 : i32
    "tpu.region"() ({
      %run_scoped3A = tpu.sem_alloc : memref<!tpu.dma_semaphore, #tpu.memory_space<semaphore_mem>>
      %dma_start3A_119 = arith.constant 0 : i32
      %dma_start3A_120 = arith.constant 0 : i32
      %dma_start3A_121 = tpu.memref_slice %arg2[%add3A, %dma_start3A_119, %dma_start3A_120] : memref<32x5x128xi32, #tpu.memory_space<hbm>> -> memref<1x5x128xi32, #tpu.memory_space<hbm>>
      %dma_start3A_122 = tpu.memref_squeeze %dma_start3A_121 : memref<1x5x128xi32, #tpu.memory_space<hbm>> -> memref<5x128xi32, #tpu.memory_space<hbm>>
      %dma_start3A_123 = arith.constant 0 : i32
      %dma_start3A_124 = arith.constant 0 : i32
      %dma_start3A_125 = tpu.memref_slice %arg2[%add3A, %dma_start3A_123, %dma_start3A_124] : memref<32x5x128xi32, #tpu.memory_space<hbm>> -> memref<1x5x128xi32, #tpu.memory_space<hbm>>
      %dma_start3A_126 = tpu.memref_squeeze %dma_start3A_125 : memref<1x5x128xi32, #tpu.memory_space<hbm>> -> memref<5x128xi32, #tpu.memory_space<hbm>>
      tpu.enqueue_dma source(%dma_start3A_126 : memref<5x128xi32, #tpu.memory_space<hbm>>) target(%arg5 : memref<5x128xi32, #tpu.memory_space<vmem>>) target_semaphore(%run_scoped3A : memref<!tpu.dma_semaphore, #tpu.memory_space<semaphore_mem>>)
      %dma_wait3A_127 = arith.constant 0 : i32
      %dma_wait3A_128 = arith.constant 0 : i32
      %dma_wait3A_129 = tpu.memref_slice %arg2[%add3A, %dma_wait3A_127, %dma_wait3A_128] : memref<32x5x128xi32, #tpu.memory_space<hbm>> -> memref<1x5x128xi32, #tpu.memory_space<hbm>>
      %dma_wait3A_130 = tpu.memref_squeeze %dma_wait3A_129 : memref<1x5x128xi32, #tpu.memory_space<hbm>> -> memref<5x128xi32, #tpu.memory_space<hbm>>
      %dma_wait3A_131 = arith.constant 0 : i32
      %dma_wait3A_132 = arith.constant 0 : i32
      %dma_wait3A_133 = tpu.memref_slice %arg2[%add3A, %dma_wait3A_131, %dma_wait3A_132] : memref<32x5x128xi32, #tpu.memory_space<hbm>> -> memref<1x5x128xi32, #tpu.memory_space<hbm>>
      %dma_wait3A_134 = tpu.memref_squeeze %dma_wait3A_133 : memref<1x5x128xi32, #tpu.memory_space<hbm>> -> memref<5x128xi32, #tpu.memory_space<hbm>>
      tpu.wait_dma2 semaphore(%run_scoped3A : memref<!tpu.dma_semaphore, #tpu.memory_space<semaphore_mem>>) src(%dma_wait3A_134 : memref<5x128xi32, #tpu.memory_space<hbm>>) dst(%arg5 : memref<5x128xi32, #tpu.memory_space<vmem>>)
      tpu.yield
    }) : () -> ()
    %dma_start3A = arith.constant 0 : i32
    %dma_start3A_1 = arith.constant 0 : i32
    %dma_start3A_2 = arith.constant 0 : i32
    %dma_start3A_3 = arith.constant 0 : i32
    %dma_start3A_4 = tpu.memref_slice %arg6[%dma_start3A_1, %dma_start3A_2, %dma_start3A_3] : memref<5x128x128xf32, #tpu.memory_space<vmem>> -> memref<1x128x128xf32, #tpu.memory_space<vmem>>
    %dma_start3A_5 = tpu.memref_squeeze %dma_start3A_4 : memref<1x128x128xf32, #tpu.memory_space<vmem>> -> memref<128x128xf32, #tpu.memory_space<vmem>>
    %dma_start3A_6 = arith.constant 0 : i32
    %dma_start3A_7 = tpu.memref_slice %arg5[%dma_start3A, %dma_start3A_6] : memref<5x128xi32, #tpu.memory_space<vmem>> -> memref<1x128xi32, #tpu.memory_space<vmem>>
    %dma_start3A_8 = tpu.memref_squeeze %dma_start3A_7 : memref<1x128xi32, #tpu.memory_space<vmem>> -> memref<128xi32, #tpu.memory_space<vmem>>
    %dma_start3A_9 = arith.constant 0 : i32
    %dma_start3A_10 = arith.constant 0 : i32
    %dma_start3A_11 = tpu.memref_slice %arg3[%dma_start3A_9, %dma_start3A_10] : memref<100000x128xf32, #tpu.memory_space<hbm>> -> memref<100000x128xf32, #tpu.memory_space<hbm>>
    tpu.enqueue_indirect_dma source(%dma_start3A_11 : memref<100000x128xf32, #tpu.memory_space<hbm>>) target(%dma_start3A_5 : memref<128x128xf32, #tpu.memory_space<vmem>>) offsets(%dma_start3A_8 : memref<128xi32, #tpu.memory_space<vmem>>) semaphore(%arg7 : memref<!tpu.dma_semaphore, #tpu.memory_space<semaphore_mem>>)
    %dma_start3A_12 = arith.constant 1 : i32
    %dma_start3A_13 = arith.constant 1 : i32
    %dma_start3A_14 = arith.constant 0 : i32
    %dma_start3A_15 = arith.constant 0 : i32
    %dma_start3A_16 = tpu.memref_slice %arg6[%dma_start3A_13, %dma_start3A_14, %dma_start3A_15] : memref<5x128x128xf32, #tpu.memory_space<vmem>> -> memref<1x128x128xf32, #tpu.memory_space<vmem>>
    %dma_start3A_17 = tpu.memref_squeeze %dma_start3A_16 : memref<1x128x128xf32, #tpu.memory_space<vmem>> -> memref<128x128xf32, #tpu.memory_space<vmem>>
    %dma_start3A_18 = arith.constant 0 : i32
    %dma_start3A_19 = tpu.memref_slice %arg5[%dma_start3A_12, %dma_start3A_18] : memref<5x128xi32, #tpu.memory_space<vmem>> -> memref<1x128xi32, #tpu.memory_space<vmem>>
    %dma_start3A_20 = tpu.memref_squeeze %dma_start3A_19 : memref<1x128xi32, #tpu.memory_space<vmem>> -> memref<128xi32, #tpu.memory_space<vmem>>
    %dma_start3A_21 = arith.constant 0 : i32
    %dma_start3A_22 = arith.constant 0 : i32
    %dma_start3A_23 = tpu.memref_slice %arg3[%dma_start3A_21, %dma_start3A_22] : memref<100000x128xf32, #tpu.memory_space<hbm>> -> memref<100000x128xf32, #tpu.memory_space<hbm>>
    tpu.enqueue_indirect_dma source(%dma_start3A_23 : memref<100000x128xf32, #tpu.memory_space<hbm>>) target(%dma_start3A_17 : memref<128x128xf32, #tpu.memory_space<vmem>>) offsets(%dma_start3A_20 : memref<128xi32, #tpu.memory_space<vmem>>) semaphore(%arg7 : memref<!tpu.dma_semaphore, #tpu.memory_space<semaphore_mem>>)
    %dma_start3A_24 = arith.constant 2 : i32
    %dma_start3A_25 = arith.constant 2 : i32
    %dma_start3A_26 = arith.constant 0 : i32
    %dma_start3A_27 = arith.constant 0 : i32
    %dma_start3A_28 = tpu.memref_slice %arg6[%dma_start3A_25, %dma_start3A_26, %dma_start3A_27] : memref<5x128x128xf32, #tpu.memory_space<vmem>> -> memref<1x128x128xf32, #tpu.memory_space<vmem>>
    %dma_start3A_29 = tpu.memref_squeeze %dma_start3A_28 : memref<1x128x128xf32, #tpu.memory_space<vmem>> -> memref<128x128xf32, #tpu.memory_space<vmem>>
    %dma_start3A_30 = arith.constant 0 : i32
    %dma_start3A_31 = tpu.memref_slice %arg5[%dma_start3A_24, %dma_start3A_30] : memref<5x128xi32, #tpu.memory_space<vmem>> -> memref<1x128xi32, #tpu.memory_space<vmem>>
    %dma_start3A_32 = tpu.memref_squeeze %dma_start3A_31 : memref<1x128xi32, #tpu.memory_space<vmem>> -> memref<128xi32, #tpu.memory_space<vmem>>
    %dma_start3A_33 = arith.constant 0 : i32
    %dma_start3A_34 = arith.constant 0 : i32
    %dma_start3A_35 = tpu.memref_slice %arg3[%dma_start3A_33, %dma_start3A_34] : memref<100000x128xf32, #tpu.memory_space<hbm>> -> memref<100000x128xf32, #tpu.memory_space<hbm>>
    tpu.enqueue_indirect_dma source(%dma_start3A_35 : memref<100000x128xf32, #tpu.memory_space<hbm>>) target(%dma_start3A_29 : memref<128x128xf32, #tpu.memory_space<vmem>>) offsets(%dma_start3A_32 : memref<128xi32, #tpu.memory_space<vmem>>) semaphore(%arg7 : memref<!tpu.dma_semaphore, #tpu.memory_space<semaphore_mem>>)
    %dma_start3A_36 = arith.constant 3 : i32
    %dma_start3A_37 = arith.constant 3 : i32
    %dma_start3A_38 = arith.constant 0 : i32
    %dma_start3A_39 = arith.constant 0 : i32
    %dma_start3A_40 = tpu.memref_slice %arg6[%dma_start3A_37, %dma_start3A_38, %dma_start3A_39] : memref<5x128x128xf32, #tpu.memory_space<vmem>> -> memref<1x128x128xf32, #tpu.memory_space<vmem>>
    %dma_start3A_41 = tpu.memref_squeeze %dma_start3A_40 : memref<1x128x128xf32, #tpu.memory_space<vmem>> -> memref<128x128xf32, #tpu.memory_space<vmem>>
    %dma_start3A_42 = arith.constant 0 : i32
    %dma_start3A_43 = tpu.memref_slice %arg5[%dma_start3A_36, %dma_start3A_42] : memref<5x128xi32, #tpu.memory_space<vmem>> -> memref<1x128xi32, #tpu.memory_space<vmem>>
    %dma_start3A_44 = tpu.memref_squeeze %dma_start3A_43 : memref<1x128xi32, #tpu.memory_space<vmem>> -> memref<128xi32, #tpu.memory_space<vmem>>
    %dma_start3A_45 = arith.constant 0 : i32
    %dma_start3A_46 = arith.constant 0 : i32
    %dma_start3A_47 = tpu.memref_slice %arg3[%dma_start3A_45, %dma_start3A_46] : memref<100000x128xf32, #tpu.memory_space<hbm>> -> memref<100000x128xf32, #tpu.memory_space<hbm>>
    tpu.enqueue_indirect_dma source(%dma_start3A_47 : memref<100000x128xf32, #tpu.memory_space<hbm>>) target(%dma_start3A_41 : memref<128x128xf32, #tpu.memory_space<vmem>>) offsets(%dma_start3A_44 : memref<128xi32, #tpu.memory_space<vmem>>) semaphore(%arg7 : memref<!tpu.dma_semaphore, #tpu.memory_space<semaphore_mem>>)
    %dma_start3A_48 = arith.constant 4 : i32
    %dma_start3A_49 = arith.constant 4 : i32
    %dma_start3A_50 = arith.constant 0 : i32
    %dma_start3A_51 = arith.constant 0 : i32
    %dma_start3A_52 = tpu.memref_slice %arg6[%dma_start3A_49, %dma_start3A_50, %dma_start3A_51] : memref<5x128x128xf32, #tpu.memory_space<vmem>> -> memref<1x128x128xf32, #tpu.memory_space<vmem>>
    %dma_start3A_53 = tpu.memref_squeeze %dma_start3A_52 : memref<1x128x128xf32, #tpu.memory_space<vmem>> -> memref<128x128xf32, #tpu.memory_space<vmem>>
    %dma_start3A_54 = arith.constant 0 : i32
    %dma_start3A_55 = tpu.memref_slice %arg5[%dma_start3A_48, %dma_start3A_54] : memref<5x128xi32, #tpu.memory_space<vmem>> -> memref<1x128xi32, #tpu.memory_space<vmem>>
    %dma_start3A_56 = tpu.memref_squeeze %dma_start3A_55 : memref<1x128xi32, #tpu.memory_space<vmem>> -> memref<128xi32, #tpu.memory_space<vmem>>
    %dma_start3A_57 = arith.constant 0 : i32
    %dma_start3A_58 = arith.constant 0 : i32
    %dma_start3A_59 = tpu.memref_slice %arg3[%dma_start3A_57, %dma_start3A_58] : memref<100000x128xf32, #tpu.memory_space<hbm>> -> memref<100000x128xf32, #tpu.memory_space<hbm>>
    tpu.enqueue_indirect_dma source(%dma_start3A_59 : memref<100000x128xf32, #tpu.memory_space<hbm>>) target(%dma_start3A_53 : memref<128x128xf32, #tpu.memory_space<vmem>>) offsets(%dma_start3A_56 : memref<128xi32, #tpu.memory_space<vmem>>) semaphore(%arg7 : memref<!tpu.dma_semaphore, #tpu.memory_space<semaphore_mem>>)
    %dma_wait3A = arith.constant 0 : i32
    %dma_wait3A_60 = arith.constant 0 : i32
    %dma_wait3A_61 = arith.constant 0 : i32
    %dma_wait3A_62 = arith.constant 0 : i32
    %dma_wait3A_63 = tpu.memref_slice %arg6[%dma_wait3A_60, %dma_wait3A_61, %dma_wait3A_62] : memref<5x128x128xf32, #tpu.memory_space<vmem>> -> memref<1x128x128xf32, #tpu.memory_space<vmem>>
    %dma_wait3A_64 = tpu.memref_squeeze %dma_wait3A_63 : memref<1x128x128xf32, #tpu.memory_space<vmem>> -> memref<128x128xf32, #tpu.memory_space<vmem>>
    %dma_wait3A_65 = arith.constant 0 : i32
    %dma_wait3A_66 = tpu.memref_slice %arg5[%dma_wait3A, %dma_wait3A_65] : memref<5x128xi32, #tpu.memory_space<vmem>> -> memref<1x128xi32, #tpu.memory_space<vmem>>
    %dma_wait3A_67 = tpu.memref_squeeze %dma_wait3A_66 : memref<1x128xi32, #tpu.memory_space<vmem>> -> memref<128xi32, #tpu.memory_space<vmem>>
    %dma_wait3A_68 = arith.constant 0 : i32
    %dma_wait3A_69 = arith.constant 0 : i32
    %dma_wait3A_70 = tpu.memref_slice %arg3[%dma_wait3A_68, %dma_wait3A_69] : memref<100000x128xf32, #tpu.memory_space<hbm>> -> memref<100000x128xf32, #tpu.memory_space<hbm>>
    tpu.wait_indirect_dma semaphore(%arg7 : memref<!tpu.dma_semaphore, #tpu.memory_space<semaphore_mem>>) src(%dma_wait3A_70 : memref<100000x128xf32, #tpu.memory_space<hbm>>) dst(%dma_wait3A_64 : memref<128x128xf32, #tpu.memory_space<vmem>>)
    %dma_wait3A_71 = arith.constant 1 : i32
    %dma_wait3A_72 = arith.constant 1 : i32
    %dma_wait3A_73 = arith.constant 0 : i32
    %dma_wait3A_74 = arith.constant 0 : i32
    %dma_wait3A_75 = tpu.memref_slice %arg6[%dma_wait3A_72, %dma_wait3A_73, %dma_wait3A_74] : memref<5x128x128xf32, #tpu.memory_space<vmem>> -> memref<1x128x128xf32, #tpu.memory_space<vmem>>
    %dma_wait3A_76 = tpu.memref_squeeze %dma_wait3A_75 : memref<1x128x128xf32, #tpu.memory_space<vmem>> -> memref<128x128xf32, #tpu.memory_space<vmem>>
    %dma_wait3A_77 = arith.constant 0 : i32
    %dma_wait3A_78 = tpu.memref_slice %arg5[%dma_wait3A_71, %dma_wait3A_77] : memref<5x128xi32, #tpu.memory_space<vmem>> -> memref<1x128xi32, #tpu.memory_space<vmem>>
    %dma_wait3A_79 = tpu.memref_squeeze %dma_wait3A_78 : memref<1x128xi32, #tpu.memory_space<vmem>> -> memref<128xi32, #tpu.memory_space<vmem>>
    %dma_wait3A_80 = arith.constant 0 : i32
    %dma_wait3A_81 = arith.constant 0 : i32
    %dma_wait3A_82 = tpu.memref_slice %arg3[%dma_wait3A_80, %dma_wait3A_81] : memref<100000x128xf32, #tpu.memory_space<hbm>> -> memref<100000x128xf32, #tpu.memory_space<hbm>>
    tpu.wait_indirect_dma semaphore(%arg7 : memref<!tpu.dma_semaphore, #tpu.memory_space<semaphore_mem>>) src(%dma_wait3A_82 : memref<100000x128xf32, #tpu.memory_space<hbm>>) dst(%dma_wait3A_76 : memref<128x128xf32, #tpu.memory_space<vmem>>)
    %dma_wait3A_83 = arith.constant 2 : i32
    %dma_wait3A_84 = arith.constant 2 : i32
    %dma_wait3A_85 = arith.constant 0 : i32
    %dma_wait3A_86 = arith.constant 0 : i32
    %dma_wait3A_87 = tpu.memref_slice %arg6[%dma_wait3A_84, %dma_wait3A_85, %dma_wait3A_86] : memref<5x128x128xf32, #tpu.memory_space<vmem>> -> memref<1x128x128xf32, #tpu.memory_space<vmem>>
    %dma_wait3A_88 = tpu.memref_squeeze %dma_wait3A_87 : memref<1x128x128xf32, #tpu.memory_space<vmem>> -> memref<128x128xf32, #tpu.memory_space<vmem>>
    %dma_wait3A_89 = arith.constant 0 : i32
    %dma_wait3A_90 = tpu.memref_slice %arg5[%dma_wait3A_83, %dma_wait3A_89] : memref<5x128xi32, #tpu.memory_space<vmem>> -> memref<1x128xi32, #tpu.memory_space<vmem>>
    %dma_wait3A_91 = tpu.memref_squeeze %dma_wait3A_90 : memref<1x128xi32, #tpu.memory_space<vmem>> -> memref<128xi32, #tpu.memory_space<vmem>>
    %dma_wait3A_92 = arith.constant 0 : i32
    %dma_wait3A_93 = arith.constant 0 : i32
    %dma_wait3A_94 = tpu.memref_slice %arg3[%dma_wait3A_92, %dma_wait3A_93] : memref<100000x128xf32, #tpu.memory_space<hbm>> -> memref<100000x128xf32, #tpu.memory_space<hbm>>
    tpu.wait_indirect_dma semaphore(%arg7 : memref<!tpu.dma_semaphore, #tpu.memory_space<semaphore_mem>>) src(%dma_wait3A_94 : memref<100000x128xf32, #tpu.memory_space<hbm>>) dst(%dma_wait3A_88 : memref<128x128xf32, #tpu.memory_space<vmem>>)
    %dma_wait3A_95 = arith.constant 3 : i32
    %dma_wait3A_96 = arith.constant 3 : i32
    %dma_wait3A_97 = arith.constant 0 : i32
    %dma_wait3A_98 = arith.constant 0 : i32
    %dma_wait3A_99 = tpu.memref_slice %arg6[%dma_wait3A_96, %dma_wait3A_97, %dma_wait3A_98] : memref<5x128x128xf32, #tpu.memory_space<vmem>> -> memref<1x128x128xf32, #tpu.memory_space<vmem>>
    %dma_wait3A_100 = tpu.memref_squeeze %dma_wait3A_99 : memref<1x128x128xf32, #tpu.memory_space<vmem>> -> memref<128x128xf32, #tpu.memory_space<vmem>>
    %dma_wait3A_101 = arith.constant 0 : i32
    %dma_wait3A_102 = tpu.memref_slice %arg5[%dma_wait3A_95, %dma_wait3A_101] : memref<5x128xi32, #tpu.memory_space<vmem>> -> memref<1x128xi32, #tpu.memory_space<vmem>>
    %dma_wait3A_103 = tpu.memref_squeeze %dma_wait3A_102 : memref<1x128xi32, #tpu.memory_space<vmem>> -> memref<128xi32, #tpu.memory_space<vmem>>
    %dma_wait3A_104 = arith.constant 0 : i32
    %dma_wait3A_105 = arith.constant 0 : i32
    %dma_wait3A_106 = tpu.memref_slice %arg3[%dma_wait3A_104, %dma_wait3A_105] : memref<100000x128xf32, #tpu.memory_space<hbm>> -> memref<100000x128xf32, #tpu.memory_space<hbm>>
    tpu.wait_indirect_dma semaphore(%arg7 : memref<!tpu.dma_semaphore, #tpu.memory_space<semaphore_mem>>) src(%dma_wait3A_106 : memref<100000x128xf32, #tpu.memory_space<hbm>>) dst(%dma_wait3A_100 : memref<128x128xf32, #tpu.memory_space<vmem>>)
    %dma_wait3A_107 = arith.constant 4 : i32
    %dma_wait3A_108 = arith.constant 4 : i32
    %dma_wait3A_109 = arith.constant 0 : i32
    %dma_wait3A_110 = arith.constant 0 : i32
    %dma_wait3A_111 = tpu.memref_slice %arg6[%dma_wait3A_108, %dma_wait3A_109, %dma_wait3A_110] : memref<5x128x128xf32, #tpu.memory_space<vmem>> -> memref<1x128x128xf32, #tpu.memory_space<vmem>>
    %dma_wait3A_112 = tpu.memref_squeeze %dma_wait3A_111 : memref<1x128x128xf32, #tpu.memory_space<vmem>> -> memref<128x128xf32, #tpu.memory_space<vmem>>
    %dma_wait3A_113 = arith.constant 0 : i32
    %dma_wait3A_114 = tpu.memref_slice %arg5[%dma_wait3A_107, %dma_wait3A_113] : memref<5x128xi32, #tpu.memory_space<vmem>> -> memref<1x128xi32, #tpu.memory_space<vmem>>
    %dma_wait3A_115 = tpu.memref_squeeze %dma_wait3A_114 : memref<1x128xi32, #tpu.memory_space<vmem>> -> memref<128xi32, #tpu.memory_space<vmem>>
    %dma_wait3A_116 = arith.constant 0 : i32
    %dma_wait3A_117 = arith.constant 0 : i32
    %dma_wait3A_118 = tpu.memref_slice %arg3[%dma_wait3A_116, %dma_wait3A_117] : memref<100000x128xf32, #tpu.memory_space<hbm>> -> memref<100000x128xf32, #tpu.memory_space<hbm>>
    tpu.wait_indirect_dma semaphore(%arg7 : memref<!tpu.dma_semaphore, #tpu.memory_space<semaphore_mem>>) src(%dma_wait3A_118 : memref<100000x128xf32, #tpu.memory_space<hbm>>) dst(%dma_wait3A_112 : memref<128x128xf32, #tpu.memory_space<vmem>>)
    "tpu.region"() ({
      %run_scoped3A = tpu.sem_alloc : memref<!tpu.dma_semaphore, #tpu.memory_space<semaphore_mem>>
      %dma_start3A_119 = arith.constant 0 : i32
      %dma_start3A_120 = arith.constant 0 : i32
      %dma_start3A_121 = arith.constant 0 : i32
      %dma_start3A_122 = tpu.memref_slice %arg4[%add3A, %dma_start3A_119, %dma_start3A_120, %dma_start3A_121] : memref<32x5x128x128xf32, #tpu.memory_space<hbm>> -> memref<1x5x128x128xf32, #tpu.memory_space<hbm>>
      %dma_start3A_123 = tpu.memref_squeeze %dma_start3A_122 : memref<1x5x128x128xf32, #tpu.memory_space<hbm>> -> memref<5x128x128xf32, #tpu.memory_space<hbm>>
      %dma_start3A_124 = arith.constant 0 : i32
      %dma_start3A_125 = arith.constant 0 : i32
      %dma_start3A_126 = arith.constant 0 : i32
      %dma_start3A_127 = tpu.memref_slice %arg4[%add3A, %dma_start3A_124, %dma_start3A_125, %dma_start3A_126] : memref<32x5x128x128xf32, #tpu.memory_space<hbm>> -> memref<1x5x128x128xf32, #tpu.memory_space<hbm>>
      %dma_start3A_128 = tpu.memref_squeeze %dma_start3A_127 : memref<1x5x128x128xf32, #tpu.memory_space<hbm>> -> memref<5x128x128xf32, #tpu.memory_space<hbm>>
      tpu.enqueue_dma source(%arg6 : memref<5x128x128xf32, #tpu.memory_space<vmem>>) target(%dma_start3A_128 : memref<5x128x128xf32, #tpu.memory_space<hbm>>) target_semaphore(%run_scoped3A : memref<!tpu.dma_semaphore, #tpu.memory_space<semaphore_mem>>)
      %dma_wait3A_129 = arith.constant 0 : i32
      %dma_wait3A_130 = arith.constant 0 : i32
      %dma_wait3A_131 = arith.constant 0 : i32
      %dma_wait3A_132 = tpu.memref_slice %arg4[%add3A, %dma_wait3A_129, %dma_wait3A_130, %dma_wait3A_131] : memref<32x5x128x128xf32, #tpu.memory_space<hbm>> -> memref<1x5x128x128xf32, #tpu.memory_space<hbm>>
      %dma_wait3A_133 = tpu.memref_squeeze %dma_wait3A_132 : memref<1x5x128x128xf32, #tpu.memory_space<hbm>> -> memref<5x128x128xf32, #tpu.memory_space<hbm>>
      %dma_wait3A_134 = arith.constant 0 : i32
      %dma_wait3A_135 = arith.constant 0 : i32
      %dma_wait3A_136 = arith.constant 0 : i32
      %dma_wait3A_137 = tpu.memref_slice %arg4[%add3A, %dma_wait3A_134, %dma_wait3A_135, %dma_wait3A_136] : memref<32x5x128x128xf32, #tpu.memory_space<hbm>> -> memref<1x5x128x128xf32, #tpu.memory_space<hbm>>
      %dma_wait3A_138 = tpu.memref_squeeze %dma_wait3A_137 : memref<1x5x128x128xf32, #tpu.memory_space<hbm>> -> memref<5x128x128xf32, #tpu.memory_space<hbm>>
      tpu.wait_dma2 semaphore(%run_scoped3A : memref<!tpu.dma_semaphore, #tpu.memory_space<semaphore_mem>>) src(%arg6 : memref<5x128x128xf32, #tpu.memory_space<vmem>>) dst(%dma_wait3A_138 : memref<5x128x128xf32, #tpu.memory_space<hbm>>)
      tpu.yield
    }) : () -> ()
    return
  }
}

module attributes {stable_mosaic.version = 14 : i64} {
  func.func @_h_body(%arg0: memref<1024x640xf32, #tpu.memory_space<vmem>>, %arg1: memref<128x640xf32, #tpu.memory_space<vmem>>, %arg2: memref<1x128xf32, #tpu.memory_space<vmem>>, %arg3: memref<1024x128xbf16, #tpu.memory_space<vmem>>) attributes {dimension_semantics = [], scalar_prefetch = 0 : i64, scratch_operands = 0 : i64, tpu.core_type = #tpu.core_type<tc>} {
    %get3A = arith.constant 0 : index
    %get3A_0 = arith.constant 0 : index
    %get3A_1 = vector.load %arg0[%get3A, %get3A_0] : memref<1024x640xf32, #tpu.memory_space<vmem>>, vector<1024x640xf32>
    %get3A_2 = arith.constant 0 : index
    %get3A_3 = arith.constant 0 : index
    %get3A_4 = vector.load %arg1[%get3A_2, %get3A_3] : memref<128x640xf32, #tpu.memory_space<vmem>>, vector<128x640xf32>
    %dot_general3A = arith.constant dense<0.000000e+00> : vector<1024x128xf32>
    %dot_general3A_5 = tpu.matmul %get3A_1, %get3A_4, %dot_general3A {dimension_numbers = #tpu.dot_dimension_numbers<[1], [1], [0], [0], [0, 0, 1, 0], [], []>, transpose_lhs_hint = false} : vector<1024x640xf32>, vector<128x640xf32>, vector<1024x128xf32> -> vector<1024x128xf32>
    %get3A_6 = arith.constant 0 : index
    %get3A_7 = arith.constant 0 : index
    %get3A_8 = vector.load %arg2[%get3A_6, %get3A_7] : memref<1x128xf32, #tpu.memory_space<vmem>>, vector<1x128xf32>
    %add3A = vector.broadcast %get3A_8 : vector<1x128xf32> to vector<1024x128xf32>
    %add3A_9 = arith.addf %dot_general3A_5, %add3A : vector<1024x128xf32>
    %max3A = arith.constant 0.000000e+00 : f32
    %max3A_10 = vector.broadcast %max3A : f32 to vector<1024x128xf32>
    %max3A_11 = arith.maximumf %add3A_9, %max3A_10 : vector<1024x128xf32>
    %convert_element_type3A = arith.truncf %max3A_11 : vector<1024x128xf32> to vector<1024x128xbf16>
    %swap3A = arith.constant 0 : index
    %swap3A_12 = arith.constant 0 : index
    %swap3A_13 = vector.load %arg3[%swap3A, %swap3A_12] : memref<1024x128xbf16, #tpu.memory_space<vmem>>, vector<1024x128xbf16>
    tpu.vector_store %arg3[%swap3A, %swap3A_12], %convert_element_type3A {strides = array<i32>} : memref<1024x128xbf16, #tpu.memory_space<vmem>>, vector<1024x128xbf16>,
    return
  }
}

module attributes {stable_mosaic.version = 14 : i64} {
  func.func @_stats_body(%arg0: i32, %arg1: memref<1024x128xbf16, #tpu.memory_space<vmem>>, %arg2: memref<2048x128xbf16, #tpu.memory_space<vmem>>, %arg3: memref<1x1x2048xf32, #tpu.memory_space<vmem>>, %arg4: memref<1024x1xf32, #tpu.memory_space<vmem>>, %arg5: memref<1024x1xf32, #tpu.memory_space<vmem>>, %arg6: memref<1024x1xf32, #tpu.memory_space<vmem>>) attributes {dimension_semantics = [#tpu.dimension_semantics<arbitrary>], iteration_bounds = array<i64: 49>, scalar_prefetch = 0 : i64, scratch_operands = 2 : i64, tpu.core_type = #tpu.core_type<tc>, window_params = [{pipeline_mode = #tpu.pipeline_mode<synchronous>, transform_indices = @transform_0, window_bounds = array<i64: 1024, 128>}, {transform_indices = @transform_1, window_bounds = array<i64: 2048, 128>}, {transform_indices = @transform_2, window_bounds = array<i64: 1, 1, 2048>}, {pipeline_mode = #tpu.pipeline_mode<synchronous>, transform_indices = @transform_3, window_bounds = array<i64: 1024, 1>}]} {
    %get3A = arith.constant 0 : index
    %get3A_0 = arith.constant 0 : index
    %get3A_1 = vector.load %arg1[%get3A, %get3A_0] : memref<1024x128xbf16, #tpu.memory_space<vmem>>, vector<1024x128xbf16>
    %get3A_2 = arith.constant 0 : index
    %get3A_3 = arith.constant 0 : index
    %get3A_4 = vector.load %arg2[%get3A_2, %get3A_3] : memref<2048x128xbf16, #tpu.memory_space<vmem>>, vector<2048x128xbf16>
    %dot_general3A = arith.constant dense<0.000000e+00> : vector<1024x2048xf32>
    %dot_general3A_5 = tpu.matmul %get3A_1, %get3A_4, %dot_general3A {dimension_numbers = #tpu.dot_dimension_numbers<[1], [1], [0], [0], [0, 0, 1, 0], [], []>, transpose_lhs_hint = false} : vector<1024x128xbf16>, vector<2048x128xbf16>, vector<1024x2048xf32> -> vector<1024x2048xf32>
    %get3A_6 = arith.constant 0 : index
    %get3A_7 = arith.constant 0 : index
    %get3A_8 = arith.constant 0 : index
    %get3A_9 = vector.load %arg3[%get3A_6, %get3A_7, %get3A_8] : memref<1x1x2048xf32, #tpu.memory_space<vmem>>, vector<1x1x2048xf32>
    %get3A_10 = vector.shape_cast %get3A_9 : vector<1x1x2048xf32> to vector<1x2048xf32>
    %add3A = vector.broadcast %get3A_10 : vector<1x2048xf32> to vector<1024x2048xf32>
    %add3A_11 = arith.addf %dot_general3A_5, %add3A : vector<1024x2048xf32>
    %mul3A = arith.constant 2048 : i32
    %mul3A_12 = arith.muli %arg0, %mul3A : i32
    %iota3A = tpu.iota {dimensions = array<i32: 1>} : vector<1x2048xi32>
    %add3A_13 = vector.broadcast %mul3A_12 : i32 to vector<1x2048xi32>
    %add3A_14 = arith.addi %add3A_13, %iota3A : vector<1x2048xi32>
    %lt3A = arith.constant 100000 : i32
    %lt3A_15 = vector.broadcast %lt3A : i32 to vector<1x2048xi32>
    %lt3A_16 = arith.cmpi slt, %add3A_14, %lt3A_15 : vector<1x2048xi32>
    %jit3A = arith.constant 0xFF800000 : f32
    %broadcast_in_dim3A = vector.shape_cast %lt3A_16 : vector<1x2048xi1> to vector<1x2048xi1>
    %broadcast_in_dim3A_17 = vector.broadcast %broadcast_in_dim3A : vector<1x2048xi1> to vector<1024x2048xi1>
    %broadcast_in_dim3A_18 = vector.broadcast %jit3A : f32 to vector<1024x2048xf32>
    %select_n3A = arith.select %broadcast_in_dim3A_17, %add3A_11, %broadcast_in_dim3A_18 : vector<1024x2048xi1>, vector<1024x2048xf32>
    %reduce_max3A = arith.constant dense<0xFF800000> : vector<1024xf32>
    %reduce_max3A_19 = vector.multi_reduction <maximumf>, %select_n3A, %reduce_max3A [1] : vector<1024x2048xf32> to vector<1024xf32>
    %broadcast_in_dim3A_20 = vector.shape_cast %reduce_max3A_19 : vector<1024xf32> to vector<1024x1xf32>
    %eq3A = arith.constant 0 : i32
    %eq3A_21 = arith.cmpi eq, %arg0, %eq3A : i32
    %convert_element_type3A = arith.extui %eq3A_21 : i1 to i32
    %cond3A = arith.constant 0 : i32
    %cond3A_22 = arith.cmpi ne, %convert_element_type3A, %cond3A : i32
    scf.if %cond3A_22 {
      %swap3A = arith.constant 0 : index
      %swap3A_32 = arith.constant 0 : index
      %swap3A_33 = vector.load %arg5[%swap3A, %swap3A_32] : memref<1024x1xf32, #tpu.memory_space<vmem>>, vector<1024x1xf32>
      tpu.vector_store %arg5[%swap3A, %swap3A_32], %broadcast_in_dim3A_20 {strides = array<i32>} : memref<1024x1xf32, #tpu.memory_space<vmem>>, vector<1024x1xf32>,
      %sub3A = vector.broadcast %broadcast_in_dim3A_20 : vector<1024x1xf32> to vector<1024x2048xf32>
      %sub3A_34 = arith.subf %select_n3A, %sub3A : vector<1024x2048xf32>
      %exp3A = math.exp %sub3A_34 : vector<1024x2048xf32>
      %reduce_sum3A = arith.constant dense<0.000000e+00> : vector<1024xf32>
      %reduce_sum3A_35 = vector.multi_reduction <add>, %exp3A, %reduce_sum3A [1] : vector<1024x2048xf32> to vector<1024xf32>
      %broadcast_in_dim3A_36 = vector.shape_cast %reduce_sum3A_35 : vector<1024xf32> to vector<1024x1xf32>
      %swap3A_37 = arith.constant 0 : index
      %swap3A_38 = arith.constant 0 : index
      %swap3A_39 = vector.load %arg6[%swap3A_37, %swap3A_38] : memref<1024x1xf32, #tpu.memory_space<vmem>>, vector<1024x1xf32>
      tpu.vector_store %arg6[%swap3A_37, %swap3A_38], %broadcast_in_dim3A_36 {strides = array<i32>} : memref<1024x1xf32, #tpu.memory_space<vmem>>, vector<1024x1xf32>,
    } else {
    }
    %gt3A = arith.constant 0 : i32
    %gt3A_23 = arith.cmpi sgt, %arg0, %gt3A : i32
    %convert_element_type3A_24 = arith.extui %gt3A_23 : i1 to i32
    %cond3A_25 = arith.constant 0 : i32
    %cond3A_26 = arith.cmpi ne, %convert_element_type3A_24, %cond3A_25 : i32
    scf.if %cond3A_26 {
      %get3A_32 = arith.constant 0 : index
      %get3A_33 = arith.constant 0 : index
      %get3A_34 = vector.load %arg5[%get3A_32, %get3A_33] : memref<1024x1xf32, #tpu.memory_space<vmem>>, vector<1024x1xf32>
      %max3A = arith.maximumf %get3A_34, %broadcast_in_dim3A_20 : vector<1024x1xf32>
      %get3A_35 = arith.constant 0 : index
      %get3A_36 = arith.constant 0 : index
      %get3A_37 = vector.load %arg6[%get3A_35, %get3A_36] : memref<1024x1xf32, #tpu.memory_space<vmem>>, vector<1024x1xf32>
      %sub3A = arith.subf %get3A_34, %max3A : vector<1024x1xf32>
      %exp3A = math.exp %sub3A : vector<1024x1xf32>
      %mul3A_38 = arith.mulf %get3A_37, %exp3A : vector<1024x1xf32>
      %sub3A_39 = vector.broadcast %max3A : vector<1024x1xf32> to vector<1024x2048xf32>
      %sub3A_40 = arith.subf %select_n3A, %sub3A_39 : vector<1024x2048xf32>
      %exp3A_41 = math.exp %sub3A_40 : vector<1024x2048xf32>
      %reduce_sum3A = arith.constant dense<0.000000e+00> : vector<1024xf32>
      %reduce_sum3A_42 = vector.multi_reduction <add>, %exp3A_41, %reduce_sum3A [1] : vector<1024x2048xf32> to vector<1024xf32>
      %broadcast_in_dim3A_43 = vector.shape_cast %reduce_sum3A_42 : vector<1024xf32> to vector<1024x1xf32>
      %add3A_44 = arith.addf %mul3A_38, %broadcast_in_dim3A_43 : vector<1024x1xf32>
      %swap3A = arith.constant 0 : index
      %swap3A_45 = arith.constant 0 : index
      %swap3A_46 = vector.load %arg6[%swap3A, %swap3A_45] : memref<1024x1xf32, #tpu.memory_space<vmem>>, vector<1024x1xf32>
      tpu.vector_store %arg6[%swap3A, %swap3A_45], %add3A_44 {strides = array<i32>} : memref<1024x1xf32, #tpu.memory_space<vmem>>, vector<1024x1xf32>,
      %swap3A_47 = arith.constant 0 : index
      %swap3A_48 = arith.constant 0 : index
      %swap3A_49 = vector.load %arg5[%swap3A_47, %swap3A_48] : memref<1024x1xf32, #tpu.memory_space<vmem>>, vector<1024x1xf32>
      tpu.vector_store %arg5[%swap3A_47, %swap3A_48], %max3A {strides = array<i32>} : memref<1024x1xf32, #tpu.memory_space<vmem>>, vector<1024x1xf32>,
    } else {
    }
    %eq3A_27 = arith.constant 48 : i32
    %eq3A_28 = arith.cmpi eq, %arg0, %eq3A_27 : i32
    %convert_element_type3A_29 = arith.extui %eq3A_28 : i1 to i32
    %cond3A_30 = arith.constant 0 : i32
    %cond3A_31 = arith.cmpi ne, %convert_element_type3A_29, %cond3A_30 : i32
    scf.if %cond3A_31 {
      %get3A_32 = arith.constant 0 : index
      %get3A_33 = arith.constant 0 : index
      %get3A_34 = vector.load %arg5[%get3A_32, %get3A_33] : memref<1024x1xf32, #tpu.memory_space<vmem>>, vector<1024x1xf32>
      %get3A_35 = arith.constant 0 : index
      %get3A_36 = arith.constant 0 : index
      %get3A_37 = vector.load %arg6[%get3A_35, %get3A_36] : memref<1024x1xf32, #tpu.memory_space<vmem>>, vector<1024x1xf32>
      %log3A = math.log %get3A_37 : vector<1024x1xf32>
      %add3A_38 = arith.addf %get3A_34, %log3A : vector<1024x1xf32>
      %swap3A = arith.constant 0 : index
      %swap3A_39 = arith.constant 0 : index
      %swap3A_40 = vector.load %arg4[%swap3A, %swap3A_39] : memref<1024x1xf32, #tpu.memory_space<vmem>>, vector<1024x1xf32>
      tpu.vector_store %arg4[%swap3A, %swap3A_39], %add3A_38 {strides = array<i32>} : memref<1024x1xf32, #tpu.memory_space<vmem>>, vector<1024x1xf32>,
    } else {
    }
    return
  }
  func.func @transform_0(%arg0: i32) -> (i32, i32) {
    %c0_i32 = arith.constant 0 : i32
    %c0_i32_0 = arith.constant 0 : i32
    %c0_i32_1 = arith.constant 0 : i32
    return %c0_i32, %c0_i32_0 : i32, i32
  }
  func.func @transform_1(%arg0: i32) -> (i32, i32) {
    %c0_i32 = arith.constant 0 : i32
    %c0_i32_0 = arith.constant 0 : i32
    return %arg0, %c0_i32 : i32, i32
  }
  func.func @transform_2(%arg0: i32) -> (i32, i32, i32) {
    %c0_i32 = arith.constant 0 : i32
    %c0_i32_0 = arith.constant 0 : i32
    %c0_i32_1 = arith.constant 0 : i32
    return %arg0, %c0_i32, %c0_i32_0 : i32, i32, i32
  }
  func.func @transform_3(%arg0: i32) -> (i32, i32) {
    %c0_i32 = arith.constant 0 : i32
    %c0_i32_0 = arith.constant 0 : i32
    %c0_i32_1 = arith.constant 0 : i32
    return %c0_i32, %c0_i32_0 : i32, i32
  }
}

module attributes {stable_mosaic.version = 14 : i64} {
  func.func @_out_body(%arg0: i32, %arg1: memref<1024x128xbf16, #tpu.memory_space<vmem>>, %arg2: memref<2048x128xbf16, #tpu.memory_space<vmem>>, %arg3: memref<1x1x2048xf32, #tpu.memory_space<vmem>>, %arg4: memref<1024x1xf32, #tpu.memory_space<vmem>>, %arg5: memref<1024x2048xf32, #tpu.memory_space<vmem>>) attributes {dimension_semantics = [#tpu.dimension_semantics<arbitrary>], iteration_bounds = array<i64: 49>, scalar_prefetch = 0 : i64, scratch_operands = 0 : i64, tpu.core_type = #tpu.core_type<tc>, window_params = [{pipeline_mode = #tpu.pipeline_mode<synchronous>, transform_indices = @transform_0, window_bounds = array<i64: 1024, 128>}, {transform_indices = @transform_1, window_bounds = array<i64: 2048, 128>}, {transform_indices = @transform_2, window_bounds = array<i64: 1, 1, 2048>}, {pipeline_mode = #tpu.pipeline_mode<synchronous>, transform_indices = @transform_3, window_bounds = array<i64: 1024, 1>}, {transform_indices = @transform_4, window_bounds = array<i64: 1024, 2048>}]} {
    %get3A = arith.constant 0 : index
    %get3A_0 = arith.constant 0 : index
    %get3A_1 = vector.load %arg1[%get3A, %get3A_0] : memref<1024x128xbf16, #tpu.memory_space<vmem>>, vector<1024x128xbf16>
    %get3A_2 = arith.constant 0 : index
    %get3A_3 = arith.constant 0 : index
    %get3A_4 = vector.load %arg2[%get3A_2, %get3A_3] : memref<2048x128xbf16, #tpu.memory_space<vmem>>, vector<2048x128xbf16>
    %dot_general3A = arith.constant dense<0.000000e+00> : vector<1024x2048xf32>
    %dot_general3A_5 = tpu.matmul %get3A_1, %get3A_4, %dot_general3A {dimension_numbers = #tpu.dot_dimension_numbers<[1], [1], [0], [0], [0, 0, 1, 0], [], []>, transpose_lhs_hint = false} : vector<1024x128xbf16>, vector<2048x128xbf16>, vector<1024x2048xf32> -> vector<1024x2048xf32>
    %get3A_6 = arith.constant 0 : index
    %get3A_7 = arith.constant 0 : index
    %get3A_8 = arith.constant 0 : index
    %get3A_9 = vector.load %arg3[%get3A_6, %get3A_7, %get3A_8] : memref<1x1x2048xf32, #tpu.memory_space<vmem>>, vector<1x1x2048xf32>
    %get3A_10 = vector.shape_cast %get3A_9 : vector<1x1x2048xf32> to vector<1x2048xf32>
    %add3A = vector.broadcast %get3A_10 : vector<1x2048xf32> to vector<1024x2048xf32>
    %add3A_11 = arith.addf %dot_general3A_5, %add3A : vector<1024x2048xf32>
    %get3A_12 = arith.constant 0 : index
    %get3A_13 = arith.constant 0 : index
    %get3A_14 = vector.load %arg4[%get3A_12, %get3A_13] : memref<1024x1xf32, #tpu.memory_space<vmem>>, vector<1024x1xf32>
    %sub3A = vector.broadcast %get3A_14 : vector<1024x1xf32> to vector<1024x2048xf32>
    %sub3A_15 = arith.subf %add3A_11, %sub3A : vector<1024x2048xf32>
    %swap3A = arith.constant 0 : index
    %swap3A_16 = arith.constant 0 : index
    %swap3A_17 = vector.load %arg5[%swap3A, %swap3A_16] : memref<1024x2048xf32, #tpu.memory_space<vmem>>, vector<1024x2048xf32>
    tpu.vector_store %arg5[%swap3A, %swap3A_16], %sub3A_15 {strides = array<i32>} : memref<1024x2048xf32, #tpu.memory_space<vmem>>, vector<1024x2048xf32>,
    return
  }
  func.func @transform_0(%arg0: i32) -> (i32, i32) {
    %c0_i32 = arith.constant 0 : i32
    %c0_i32_0 = arith.constant 0 : i32
    %c0_i32_1 = arith.constant 0 : i32
    return %c0_i32, %c0_i32_0 : i32, i32
  }
  func.func @transform_1(%arg0: i32) -> (i32, i32) {
    %c0_i32 = arith.constant 0 : i32
    %c0_i32_0 = arith.constant 0 : i32
    return %arg0, %c0_i32 : i32, i32
  }
  func.func @transform_2(%arg0: i32) -> (i32, i32, i32) {
    %c0_i32 = arith.constant 0 : i32
    %c0_i32_0 = arith.constant 0 : i32
    %c0_i32_1 = arith.constant 0 : i32
    return %arg0, %c0_i32, %c0_i32_0 : i32, i32, i32
  }
  func.func @transform_3(%arg0: i32) -> (i32, i32) {
    %c0_i32 = arith.constant 0 : i32
    %c0_i32_0 = arith.constant 0 : i32
    %c0_i32_1 = arith.constant 0 : i32
    return %c0_i32, %c0_i32_0 : i32, i32
  }
  func.func @transform_4(%arg0: i32) -> (i32, i32) {
    %c0_i32 = arith.constant 0 : i32
    %c0_i32_0 = arith.constant 0 : i32
    return %c0_i32, %arg0 : i32, i32
  }
}

</mosaic_0001>

<sc_bundles>
// kernel: kernel.6.cloned.1.call-start
scs
__scs_entry_jumppad:
0x0: {  	(pc) =	sbr.rel $0x88, $3  }
0x1: {  	(tag) =	ssettag $0x0;
	lr =	simm.s32 $0x1  }
0x2: {  	[smem:$0x3F9B] =	sst lr;
	_ =	strace $0xD0000000  }
0x3: {  	_ = 	snop  }
0x4: {  	_ = 	snop  }
0x5: {  	_ = 	snop  }
0x6: {  	_ = 	snop  }
0x7: {  	_ = 	snop  }
__scs_overlays_trampoline_lowered:
0x8: {  	[smem:$0x3FAA] =	sst s0  }
0x9: {  	[smem:$0x3FAB] =	sst s1  }
0xa: {  	[smem:$0x3FAC] =	sst s2  }
0xb: {  	[smem:$0x3FAD] =	sst s3  }
0xc: {  	[smem:$0x3FAE] =	sst s4  }
0xd: {  	[smem:$0x3FAF] =	sst s5  }
0xe: {  	[smem:$0x3FB0] =	sst s6  }
0xf: {  	[smem:$0x3FB1] =	sst s7  }
0x10: {  	[smem:$0x3FB2] =	sst s8  }
0x11: {  	[smem:$0x3FB3] =	sst s9;
	s0 =	simm.s32 @!p0 $0x0  }
0x12: {  	s1 =	sld [smem:$0x3F99];
	s0 =	simm.s32 @p0 $0x1  }
0x13: {  	[smem:$0x3FB4] =	sst s0;
	s0 =	simm.s32 @!p1 $0x0  }
0x14: {  	s2 =	sld [smem:$0x3F98];
	s0 =	simm.s32 @p1 $0x1  }
0x15: {  	[smem:$0x3FB5] =	sst s0;
	s0 =	simm.s32 @!p2 $0x0  }
0x16: {  	s3 =	sld [smem:$0x3FDB];
	s0 =	simm.s32 @p2 $0x1  }
0x17: {  	s4 =	simm.s32 $0x1BF5;
	[smem:$0x3FB7] =	sst s0  }
0x18: {  	s0 =	sld [smem:$0x3F9A];
	_ =	swait.ge [sflag:s4], $0x0  }
0x19: {  	s7 =	sld [smem:$0x3F9B]  }
0x1a: {  	s8 =	sadd.s32 $0xFFFFE003, lr  }
0x1b: {  	s9 =	sadd.s32 $0xFFFFFEF7, lr;
	s5 =	simm.s32 $0xFFFFFFFF;
	p2 =	slt.u32 s8, $0xFFFFF086  }
0x1c: {  	p1 =	slt.u32 s9, $0xF7A;
	s5 =	simm.s32 @!p2 $0x0  }
0x1d: {  	s5 =	simm.s32 @p1 $0x1;
	p0 =	seq.s32 s7, s2  }
0x1e: {  	s7 =	smul.u32 @!p0 $0xF7A, s2;
	p2 =	seq.s32 @!p0 s5, $0x0  }
0x1f: {  	s9 =	smul.u32 $0xF7A, s1;
	s8 =	simm.s32 @!p0 $0x1BF5;
	p2 =	por !p2, p0  }
0x20: {  	[sflag:s8] =	ssyncset.s32 @!p0 $0xFFFFF086;
	s6 =	sadd.s32 @!p0 s3, s7;
	s7 =	simm.s32 @!p0 $0x108  }
0x21: {  	s3 =	sadd.s32 s3, s9;
	s6 =	sadd.s32 @!p0 $0x88, s6;
	s7 =	simm.s32 @p2 $0x1082  }
0x22: {  	[simem:s7], [sflag:s8] =	dma.local @!p0 [hbm:s6], $0xF7A  }
0x23: {  	s9 =	sor.u32 $0xD0000000, s2;
	s6 =	simm.s32 $0x108;
	_ =	swait.ge @!p0 [sflag:s8], $0x0  }
0x24: {  	s3 =	sadd.s32 $0x88, s3;
	s6 =	simm.s32 @!p1 $0x1082;
	[sflag:s4] =	ssyncset.s32 $0xFFFFF086  }
0x25: {  	[simem:s6], [sflag:s4] =	dma.local [hbm:s3], $0xF7A  }
0x26: {  	[smem:$0x3F9B] =	sst s1;
	(tag) =	ssettag s2;
	_ =	strace s9  }
0x27: {  	s1 =	sld [smem:$0x3FAB]  }
0x28: {  	s2 =	sld [smem:$0x3FAC]  }
0x29: {  	s4 =	sld [smem:$0x3FAE]  }
0x2a: {  	p0 =	seq.s32 s5, $0x0;
	s5 =	sld [smem:$0x3FAF]  }
0x2b: {  	s6 =	sld [smem:$0x3FB0]  }
0x2c: {  	s7 =	sld [smem:$0x3FB1]  }
0x2d: {  	s3 =	simm.s32 $0x108;
	s8 =	sld [smem:$0x3FB2]  }
0x2e: {  	s3 =	simm.s32 @!p0 $0x1082;
	s9 =	sld [smem:$0x3FB3]  }
0x2f: {  	lr =	sadd.s32 s0, s3;
	s0 =	sld [smem:$0x3FAA]  }
0x30: {  	s3 =	sld [smem:$0x3FAD]  }
0x31: {  	[smem:$0x3FB6] =	sst s10  }
0x32: {  	s10 =	sld [smem:$0x3FB4];
	_ =	sdelay $0x3  }
0x33: {  	p0 =	seq.s32 s10, $0x1;
	s10 =	sld [smem:$0x3FB6];
	_ =	sdelay $0x3  }
0x34: {  	[smem:$0x3FB6] =	sst s10  }
0x35: {  	s10 =	sld [smem:$0x3FB5];
	_ =	sdelay $0x3  }
0x36: {  	p1 =	seq.s32 s10, $0x1;
	s10 =	sld [smem:$0x3FB6];
	_ =	sdelay $0x3  }
0x37: {  	[smem:$0x3FB6] =	sst s10  }
0x38: {  	s10 =	sld [smem:$0x3FB7]  }
0x39: {  	_ = 	snop;
	(pc) =	sbr.ind lr, $3  }
0x3a: {  	_ = 	snop  }
0x3b: {  	_ = 	snop  }
0x3c: {  	p2 =	seq.s32 s10, $0x1;
	s10 =	sld [smem:$0x3FB6]  }
0x3d: {  	_ =	shalt  }
0x3e: {  	_ =	shalt  }
0x3f: {  	_ =	shalt  }
0x40: {  	_ =	shalt  }
0x41: {  	_ =	shalt  }
0x42: {  	_ =	shalt  }
0x43: {  	_ =	shalt  }
0x44: {  	_ =	shalt  }
0x45: {  	_ =	shalt  }
0x46: {  	_ =	shalt  }
0x47: {  	_ =	shalt  }
0x48: {  	_ =	shalt  }
0x49: {  	_ =	shalt  }
0x4a: {  	_ =	shalt  }
0x4b: {  	_ =	shalt  }
0x4c: {  	_ =	shalt  }
0x4d: {  	_ =	shalt  }
0x4e: {  	_ =	shalt  }
0x4f: {  	_ =	shalt  }
0x50: {  	_ =	shalt  }
0x51: {  	_ =	shalt  }
0x52: {  	_ =	shalt  }
0x53: {  	_ =	shalt  }
0x54: {  	_ =	shalt  }
0x55: {  	_ =	shalt  }
0x56: {  	_ =	shalt  }
0x57: {  	_ =	shalt  }
0x58: {  	_ =	shalt  }
0x59: {  	_ =	shalt  }
0x5a: {  	_ =	shalt  }
0x5b: {  	_ =	shalt  }
0x5c: {  	_ =	shalt  }
0x5d: {  	_ =	shalt  }
0x5e: {  	_ =	shalt  }
0x5f: {  	_ =	shalt  }
0x60: {  	_ =	shalt  }
0x61: {  	_ =	shalt  }
0x62: {  	_ =	shalt  }
0x63: {  	_ =	shalt  }
0x64: {  	_ =	shalt  }
0x65: {  	_ =	shalt  }
0x66: {  	_ =	shalt  }
0x67: {  	_ =	shalt  }
0x68: {  	_ =	shalt  }
0x69: {  	_ =	shalt  }
0x6a: {  	_ =	shalt  }
0x6b: {  	_ =	shalt  }
0x6c: {  	_ =	shalt  }
0x6d: {  	_ =	shalt  }
0x6e: {  	_ =	shalt  }
0x6f: {  	_ =	shalt  }
0x70: {  	_ =	shalt  }
0x71: {  	_ =	shalt  }
0x72: {  	_ =	shalt  }
0x73: {  	_ =	shalt  }
0x74: {  	_ =	shalt  }
0x75: {  	_ =	shalt  }
0x76: {  	_ =	shalt  }
0x77: {  	_ =	shalt  }
0x78: {  	_ =	shalt  }
0x79: {  	_ =	shalt  }
0x7a: {  	_ =	shalt  }
0x7b: {  	_ =	shalt  }
0x7c: {  	_ =	shalt  }
0x7d: {  	_ =	shalt  }
0x7e: {  	_ =	shalt  }
0x7f: {  	_ =	shalt  }
0x80: {  	_ =	shalt  }
0x81: {  	_ =	shalt  }
0x82: {  	_ =	shalt  }
0x83: {  	_ =	shalt  }
0x84: {  	_ =	shalt  }
0x85: {  	_ =	shalt  }
0x86: {  	_ =	shalt  }
0x87: {  	_ =	shalt  }
.Lfunc_end0:
.L_simem_size_0:
called_computation_lowered:
.L_overlay_start_0:
0x88: {  	s2 =	sld [smem:$0x3FD9]  }
0x89: {  	s3 =	sld [smem:$0x3FFE];
	_ =	sdelay $0x1  }
0x8a: {  	s1 =	srdreg.scid  }
0x8b: {  	s0 =	sand.u32 $0x1, s1  }
0x8c: {  	s16 =	sshll.u32 s0, $0xA;
	s2 =	sadd.s32 s3, s2  }
0x8d: {  	s2 =	sadd.s32 s2, s16  }
0x8e: {  	[smem:$0x3FC2] =	sst s2  }
0x8f: {  	_ = 	snop  }
0x90: {  	(tm) =	ssettm $0x1  }
0x91: {  	s17 =	sld [smem:$0x3FFB];
	_ =	sdelay $0x3  }
0x92: {  	_ =	strace s17  }
0x93: {  	s2 =	sld [smem:$0x3FFC];
	_ =	sdelay $0x3  }
0x94: {  	_ =	strace s2  }
0x95: {  	s2 =	sld [smem:$0x3FFD];
	_ =	sdelay $0x3  }
0x96: {  	_ =	strace s2  }
0x97: {  	_ =	strace $0x8FFFFFFF  }
0x98: {  	s18 =	sld [smem:$0x3FDB];
	_ =	sdelay $0x1  }
0x99: {  	s19 =	simm.s32 $_scs_section_size  }
0x9a: {  	s4 =	simm.s32 $_size__tile_overlayer_lowered;
	s5 =	simm.s32 $_tile_overlayer_lowered  }
0x9b: {  	s22 =	simm.s32 $0x1BFF;
	s21 =	sshll.u32 s5, $0x1;
	s2 =	sadd.s32 s19, s18  }
0x9c: {  	s6 =	simm.s32 $0x0;
	s20 =	sshll.u32 s4, $0x1;
	s4 =	sadd.s32 s21, s2  }
0x9d: {  	[timem:s6], [sflag:s22] =	dma.local [hbm:s4], s20  }
0x9e: {  	_ =	swait.ge [sflag:s22], s20  }
0x9f: {  	s3 =	ssub.s32 $0x0, s20;
	[sflag:s22] =	ssyncset.done $0x0  }
0xa0: {  	[sflag:s22] =	ssyncadd.s32 s3;
	_ =	sdelay $0x1  }
0xa1: {  	s23 =	simm.s32 $0x1B8B  }
0xa2: {  	_ =	swait.ge [sflag:s23], $0x1  }
0xa3: {  	[sflag:s23] =	ssyncset.done $0x0  }
0xa4: {  	s25 =	simm.s32 $0x1B8E;
	s24 =	sld [smem:$0x3FFE];
	[sflag:s23] =	ssyncadd.s32 $0xFFFFFFFF  }
0xa5: {  	s26 =	simm.s32 $execute0_lowered;
	[smem:$0x3FD2] =	sst s25  }
0xa6: {  	s4 =	sshll.u32 s26, $0x1;
	_ =	strace $0x80000046;
	[dreg:$0x1] =	wrdreg $0xFFFFFFFF  }
0xa7: {  	s28 =	simm.s32 $_size_execute0_lowered;
	s2 =	sadd.s32 s2, s4;
	[dreg:$0x0] =	wrdreg $0x0  }
0xa8: {  	s4 =	sshll.u32 s28, $0x1;
	[dreg:$0x2] =	wrdreg s2  }
0xa9: {  	[dreg:$0x3] =	wrdreg s4  }
0xaa: {  	[dreg:$0x4] =	wrdreg $0xC0  }
0xab: {  	_ =	task [dreg:s6], $0x5FFFF  }
0xac: {  	[dreg:$0x1] =	wrdreg $0xFFFFFFFF  }
0xad: {  	[dreg:$0x0] =	wrdreg $0x60  }
0xae: {  	[dreg:$0x2] =	wrdreg s24  }
0xaf: {  	[dreg:$0x3] =	wrdreg $0x9  }
0xb0: {  	_ =	task.clear_ibuf [dreg:s6], $0x4FFFF;
	_ =	strace $0x90000046  }
0xb1: {  	s29 =	simm.s32 $0x9;
	_ =	strace $0x80000048  }
0xb2: {  	_ =	swait.ge [sflag:s29], $0x1  }
0xb3: {  	[sflag:s29] =	ssyncadd.s32 $0xFFFFFFFF  }
0xb4: {  	_ =	strace $0x90000048  }
0xb5: {  	_ =	sfence  }
0xb6: {  	s30 =	sld [smem:$0x0];
	_ =	sdelay $0x2  }
0xb7: {  	s31 =	sshll.u32 s1, $0xD;
	s1 =	sshrl.u32 s1, $0x2  }
0xb8: {  	s3 =	sand.u32 $0x4000, s31;
	s1 =	sadd.s32 s1, s30  }
0xb9: {  	s0 =	sor.u32 s3, s0;
	s1 =	sshll.u32 s1, $0x11  }
0xba: {  	s0 =	sor.u32 s1, s0  }
0xbb: {  	s0 =	sadd.s32 $0x8F2B, s0  }
0xbc: {  	[sflag:s0] =	ssyncadd.remote.s32 $0x1  }
0xbd: {  	_ =	sfence.sel $0xFFFF  }
0xbe: {  	[dreg:$0x0] =	wrdreg $0xFFFFFFFF;
	(pc) =	sbr.abs _section_cstart, $3  }
0xbf: {  	[dreg:$0x1] =	wrdreg $0xFFFFFFFF  }
0xc0: {  	_ =	task.clear_ibuf [dreg:s6], $0x2FFFF;
	_ =	strace $0x9FFFFFFF  }
0xc1: {  	(tm) =	ssettm $0x7FFFFFFF  }
tec
execute0_lowered:
.L_overlay_start_1:
0x0: {  	(tag) =	ssettag $0x1  }
0x1: {  	s1 =	srdreg.scid;
	s0 =	stileid.u32  }
0x2: {  	s16 =	sand.u32 $0x1, s1;
	s29 =	sshll.u32 s0, $0x1  }
0x3: {  	s17 =	rddreg [dreg:$0x0];
	s18 =	sor.u32 s16, s29  }
0x4: {  	s2 =	simm.s32 $0x0;
	s1 =	rddreg [dreg:$0x1];
	s3 =	sshll.u32 s18, $0x7  }
0x5: {  	[smem:$0x7FF] =	sst s2;
	s3 =	sadd.s32 s3, s17  }
0x6: {  	_ =	strace $0x80000047;
	s4 =	sadd.s32 $0xA00, s3;
	s3 =	simm.s32 $0x2  }
0x7: {  	[tilespmem:s2], [sflag:$0x2] =	stream.linear.gather [hbm4b:s4+s2], $0x280, $0x38;
	[tilespmem:$0x14400] =	vst v63  }
0x8: {  	_ =	swait.ge [sflag:s3], $0x280  }
0x9: {  	s6 =	simm.s32 $0x80;
	[sflag:s3] =	ssyncset.done $0x0  }
0xa: {  	s7 =	simm.s32 $0x400;
	s5 =	sadd.s32 $0x1A00, s17;
	[sflag:s3] =	ssyncadd.s32 $0xFFFFFD80  }
0xb: {  	[tilespmem:s7], [sflag:$0x1] =	stream.indirect.gather [hbm4b:s5+s6], $0x80, s2, s6, $0xb8;
	[tilespmem:$0x14400] =	vst v63  }
0xc: {  	s8 =	simm.s32 $0x4400  }
0xd: {  	[tilespmem:s8], [sflag:$0x1] =	stream.indirect.gather [hbm4b:s5+s6], $0x80, s6, s6, $0xb8;
	[tilespmem:$0x14400] =	vst v63  }
0xe: {  	s9 =	simm.s32 $0x100;
	s10 =	simm.s32 $0x8400  }
0xf: {  	[tilespmem:s10], [sflag:$0x1] =	stream.indirect.gather [hbm4b:s5+s6], $0x80, s9, s6, $0xb8;
	[tilespmem:$0x14400] =	vst v63  }
0x10: {  	s11 =	simm.s32 $0x180;
	s12 =	simm.s32 $0xC400  }
0x11: {  	[tilespmem:s12], [sflag:$0x1] =	stream.indirect.gather [hbm4b:s5+s6], $0x80, s11, s6, $0xb8;
	[tilespmem:$0x14400] =	vst v63  }
0x12: {  	s13 =	simm.s32 $0x200;
	s14 =	simm.s32 $0x10400;
	s15 =	simm.s32 $0x1  }
0x13: {  	[tilespmem:s14], [sflag:$0x1] =	stream.indirect.gather [hbm4b:s5+s6], $0x80, s13, s6, $0xb8;
	[tilespmem:$0x14400] =	vst v63  }
0x14: {  	_ =	swait.ge [sflag:s15], $0x4000  }
0x15: {  	[sflag:s15] =	ssyncset.done $0x0  }
0x16: {  	[sflag:s15] =	ssyncadd.s32 $0xFFFFC000  }
0x17: {  	_ =	swait.ge [sflag:s15], $0x4000  }
0x18: {  	[sflag:s15] =	ssyncset.done $0x0  }
0x19: {  	[sflag:s15] =	ssyncadd.s32 $0xFFFFC000  }
0x1a: {  	_ =	swait.ge [sflag:s15], $0x4000  }
0x1b: {  	[sflag:s15] =	ssyncset.done $0x0  }
0x1c: {  	s16 =	ssub.s32 $0x2, s16;
	[sflag:s15] =	ssyncadd.s32 $0xFFFFC000  }
0x1d: {  	s19 =	sshrl.u32 s16, $0x1;
	_ =	swait.ge [sflag:s15], $0x4000  }
0x1e: {  	s30 =	ssub.s32 s16, s19;
	[sflag:s15] =	ssyncset.done $0x0  }
0x1f: {  	s18 =	smul.u32 $0x2800, s18;
	s31 =	smax.u32 s30, $0x1;
	[sflag:s15] =	ssyncadd.s32 $0xFFFFC000  }
0x20: {  	p0 =	sne.s32 s31, $0x1;
	_ =	swait.ge [sflag:s15], $0x4000  }
.Ltmp0:
0x21: {  	s17 =	sadd.s32 s18, s17;
	[sflag:s15] =	ssyncset.done $0x0;
	(pc) =	sbr.rel @!p0 .LBB2_2-.Ltmp0, $4  }
0x22: {  	s16 =	sadd.s32 $0x188400, s17;
	[sflag:s15] =	ssyncadd.s32 $0xFFFFC000  }
0x23: {  	[hbm4b:s16+s2] =	stream.linear.scatter [tilespmem:s7], [sflag:$0x2], $0x14000, $0x38;
	[tilespmem:$0x14400] =	vst v63  }
0x24: {  	_ =	swait.ge [sflag:s3], $0x14000  }
0x25: {  	s17 =	sadd.s32 $0xFFFFFFFF, s31;
	[sflag:s3] =	ssyncset.done $0x0  }
.LBB2_1:
0x26: {  	p0 =	sne.s32 s17, $0x1;
	s17 =	sadd.s32 $0xFFFFFFFF, s17;
	[sflag:s3] =	ssyncadd.s32 $0xFFFEC000  }
0x27: {  	[tilespmem:s2], [sflag:$0x2] =	stream.linear.gather [hbm4b:s4+s2], $0x280, $0x38;
	[tilespmem:$0x14400] =	vst v63  }
0x28: {  	_ =	swait.ge [sflag:s3], $0x280  }
0x29: {  	[sflag:s3] =	ssyncset.done $0x0  }
0x2a: {  	[sflag:s3] =	ssyncadd.s32 $0xFFFFFD80  }
0x2b: {  	[tilespmem:s7], [sflag:$0x1] =	stream.indirect.gather [hbm4b:s5+s6], $0x80, s2, s6, $0xb8;
	[tilespmem:$0x14400] =	vst v63  }
0x2c: {  	_ = 	snop  }
0x2d: {  	[tilespmem:s8], [sflag:$0x1] =	stream.indirect.gather [hbm4b:s5+s6], $0x80, s6, s6, $0xb8;
	[tilespmem:$0x14400] =	vst v63  }
0x2e: {  	_ = 	snop  }
0x2f: {  	[tilespmem:s10], [sflag:$0x1] =	stream.indirect.gather [hbm4b:s5+s6], $0x80, s9, s6, $0xb8;
	[tilespmem:$0x14400] =	vst v63  }
0x30: {  	_ = 	snop  }
0x31: {  	[tilespmem:s12], [sflag:$0x1] =	stream.indirect.gather [hbm4b:s5+s6], $0x80, s11, s6, $0xb8;
	[tilespmem:$0x14400] =	vst v63  }
0x32: {  	_ = 	snop  }
0x33: {  	[tilespmem:s14], [sflag:$0x1] =	stream.indirect.gather [hbm4b:s5+s6], $0x80, s13, s6, $0xb8;
	[tilespmem:$0x14400] =	vst v63  }
0x34: {  	_ =	swait.ge [sflag:s15], $0x4000  }
0x35: {  	[sflag:s15] =	ssyncset.done $0x0  }
0x36: {  	[sflag:s15] =	ssyncadd.s32 $0xFFFFC000  }
0x37: {  	_ =	swait.ge [sflag:s15], $0x4000  }
0x38: {  	[sflag:s15] =	ssyncset.done $0x0  }
0x39: {  	[sflag:s15] =	ssyncadd.s32 $0xFFFFC000  }
0x3a: {  	_ =	swait.ge [sflag:s15], $0x4000  }
0x3b: {  	[sflag:s15] =	ssyncset.done $0x0  }
0x3c: {  	[sflag:s15] =	ssyncadd.s32 $0xFFFFC000  }
0x3d: {  	_ =	swait.ge [sflag:s15], $0x4000  }
0x3e: {  	[sflag:s15] =	ssyncset.done $0x0  }
0x3f: {  	[sflag:s15] =	ssyncadd.s32 $0xFFFFC000  }
0x40: {  	_ =	swait.ge [sflag:s15], $0x4000  }
.Ltmp1:
0x41: {  	[sflag:s15] =	ssyncset.done $0x0;
	(pc) =	sbr.rel @p0 .LBB2_1-.Ltmp1, $4  }
0x42: {  	[sflag:s15] =	ssyncadd.s32 $0xFFFFC000  }
0x43: {  	[hbm4b:s16+s2] =	stream.linear.scatter [tilespmem:s7], [sflag:$0x2], $0x14000, $0x38;
	[tilespmem:$0x14400] =	vst v63  }
0x44: {  	_ =	swait.ge [sflag:s3], $0x14000  }
0x45: {  	[sflag:s3] =	ssyncset.done $0x0  }
.LBB2_2:
0x46: {  	[sflag:s3] =	ssyncadd.s32 $0xFFFEC000  }
0x47: {  	_ =	sfence.sel $0x180000  }
0x48: {  	[bflag:$0x0] =	sbarrier.arrive $0xFFFF  }
0x49: {  	p0 =	sne.s32 s0, $0x0;
	_ =	strace $0x90000047  }
0x4a: {  	s0 =	sadd.s32 @!p0 $0x100000, s1;
	[bflag:$0x2] =	sbarrier.arrive $0xFFFF  }
0x4b: {  	[sflag:s0] =	ssyncadd.tile.s32 @!p0 $0x1;
	_ =	shalt  }
.Lfunc_end2:
_tile_overlayer_lowered:
.L_overlay_start_2:
0x4c: {  	(tag) =	ssettag $0x2  }
0x4d: {  	s0 =	rddreg [dreg:$0x0];
	s2 =	stileid.u32  }
0x4e: {  	s1 =	rddreg [dreg:$0x1];
	p0 =	sne.s32 s2, $0x0  }
0x4f: {  	s3 =	rddreg [dreg:$0x2];
	[bflag:$0x3] =	sbarrier.arrive $0xFFFF;
	s2 =	simm.s32 @!p0 $0x1C02  }
0x50: {  	[timem:s3], [sflag:s2] =	dma.local @!p0 [hbm:s0], s1  }
0x51: {  	s0 =	simm.s32 @!p0 $0x2  }
0x52: {  	_ =	swait.ge @!p0 [sflag:s0], s1  }
0x53: {  	s1 =	ssub.s32 @!p0 $0x0, s1;
	[sflag:s0] =	ssyncset.done @!p0 $0x0  }
0x54: {  	[sflag:s0] =	ssyncadd.s32 @!p0 s1  }
0x55: {  	[bflag:$0x3] =	sbarrier.arrive $0xFFFF  }
0x56: {  	_ =	shalt  }

</sc_bundles>
